<compile_context>
chip_gen: v7x
topology: tpu7x:2x2x1
jax: 0.10.2.dev20260603
libtpu: 0.0.44.dev20260713+nightly
codegen_flags: <defaults>
</compile_context>

<pallas_src>
import functools

import jax
import jax.numpy as jnp
from jax import lax
from jax.experimental import pallas as pl
from jax.experimental.pallas import tpu as pltpu
from jax.experimental.pallas import tpu_sc as plsc

_BATCH = 128
_LORA_BATCH = 320
_N_SPLIT = 80
_D_MODEL = 4096
_R = 64
_RP = 128
_G = 8

_NC = 2
_NS = 16
_BPW = 16
_ACTIVE = _LORA_BATCH // _BPW


def _f16_bits_to_bf16_unscaled(h):
    h32 = h.astype(jnp.int32)
    fbits = ((h32 << 16) >> 3) & jnp.int32(0x8FFFFFFF - 2 ** 32)
    return lax.bitcast_convert_type(fbits, jnp.float32).astype(jnp.bfloat16)


def _mm_body(x_ref, a_ref, o_ref, aw_ref):
    for g in range(_G):
        aw_ref[:, _R * g:_R * (g + 1)] = _f16_bits_to_bf16_unscaled(a_ref[g])
    res = jax.lax.dot_general(
        x_ref[...],
        aw_ref[...],
        dimension_numbers=(((1,), (0,)), ((), ())),
        preferred_element_type=jnp.float32,
    )
    res = res * jnp.float32(2.0 ** 56)
    for g in range(_G):
        o_ref[g, :, 0:_R] = res[:, _R * g:_R * (g + 1)]


def _sc_gather_body(yflat_hbm, xids_hbm, wids_hbm, out_hbm, xv, wv, idxv, rows,
                    sem):
    wid = lax.axis_index("s") * _NC + lax.axis_index("c")

    @pl.when(wid < _ACTIVE)
    def _():
        base = wid * _BPW
        pltpu.sync_copy(xids_hbm.at[pl.ds(base, _BPW)], xv)
        pltpu.sync_copy(wids_hbm.at[pl.ds(base, _BPW)], wv)
        idxv[...] = wv[...] * _BATCH + xv[...]
        pltpu.async_copy(yflat_hbm.at[idxv], rows, sem).wait()
        pltpu.sync_copy(rows, out_hbm.at[pl.ds(base, _BPW)])


def kernel(x, xids, wids, lora_A):
    x2d = (x.reshape(_BATCH, _D_MODEL).astype(jnp.float32)
           * jnp.float32(2.0 ** 56)).astype(jnp.bfloat16)
    a_bits = lax.bitcast_convert_type(lora_A, jnp.int16)

    y_all = pl.pallas_call(
        _mm_body,
        grid=(_N_SPLIT // _G,),
        in_specs=[
            pl.BlockSpec((_BATCH, _D_MODEL), lambda w: (0, 0)),
            pl.BlockSpec((_G, _D_MODEL, _R), lambda w: (w, 0, 0)),
        ],
        out_specs=pl.BlockSpec((_G, _BATCH, _RP), lambda w: (w, 0, 0)),
        out_shape=jax.ShapeDtypeStruct((_N_SPLIT, _BATCH, _RP), jnp.float32),
        scratch_shapes=[pltpu.VMEM((_D_MODEL, _G * _R), jnp.bfloat16)],
    )(x2d, a_bits)

    yflat = y_all.reshape(_N_SPLIT * _BATCH, _RP)

    gathered = pl.kernel(
        _sc_gather_body,
        out_type=jax.ShapeDtypeStruct((_LORA_BATCH, _RP), jnp.float32),
        mesh=plsc.VectorSubcoreMesh(
            core_axis_name="c", subcore_axis_name="s",
            num_cores=_NC, num_subcores=_NS),
        scratch_types=[
            pltpu.VMEM((_BPW,), jnp.int32),
            pltpu.VMEM((_BPW,), jnp.int32),
            pltpu.VMEM((_BPW,), jnp.int32),
            pltpu.VMEM((_BPW, _RP), jnp.float32),
            pltpu.SemaphoreType.DMA,
        ],
    )(yflat, xids, wids)

    return gathered[:, :_R].astype(jnp.float16).reshape(_LORA_BATCH, 1, _R)

# --- scband reference (transcript-rebuilt; emitter-appended) ---
"""Pipeline reference for scband-splitted-lora-a-59459527246476 (READ-ONLY COPY).

The authoritative reference and input builder live on the scoring server;
editing this copy changes nothing except your own understanding.
"""

import jax, jax.numpy as jnp
import numpy as np

BATCH_LARGE = 64
BATCH_SMALL = 64
R_LARGE = 256
R_SMALL = 64
N_AD_LARGE = 16
N_AD_SMALL = 16
R_MULT = R_LARGE // R_SMALL  # 4
BATCH = BATCH_LARGE + BATCH_SMALL  # 128
LORA_BATCH = BATCH_LARGE * R_MULT + BATCH_SMALL  # 320
N_SPLIT = N_AD_LARGE * R_MULT + N_AD_SMALL  # 80
D_MODEL = 4096


def setup_inputs(seed: int = 0) -> dict:
    key = jax.random.key(seed)
    k1, k2, k3, k4 = jax.random.split(key, 4)
    x = jax.random.normal(k1, (BATCH, 1, D_MODEL), dtype=jnp.float32).astype(jnp.float16)
    xids = jax.random.randint(k2, (LORA_BATCH,), 0, BATCH, dtype=jnp.int32)
    wids = jax.random.randint(k3, (LORA_BATCH,), 0, N_SPLIT, dtype=jnp.int32)
    lora_A = (jax.random.normal(k4, (N_SPLIT, D_MODEL, R_SMALL), dtype=jnp.float32) * 0.02).astype(jnp.float16)
    return {"x": x, "xids": xids, "wids": wids, "lora_A": lora_A}


def reference(x, xids, wids, lora_A):
    # y = matmul(take(x, xids, axis=0), take(lora_A, wids, axis=0))
    x_gathered = jnp.take(x, xids, axis=0)          # [LORA_BATCH, 1, D_MODEL]
    w_gathered = jnp.take(lora_A, wids, axis=0)     # [LORA_BATCH, D_MODEL, R_SMALL]
    y = jnp.matmul(x_gathered, w_gathered)          # [LORA_BATCH, 1, R_SMALL]
    return y

if __name__ == "__main__":
    import jax
    _d = setup_inputs()
    print(jax.jit(kernel)(*tuple(_d.values())))

</pallas_src>

<mosaic_0001>
#map = affine_map<(d0, d1) -> (0, 0)>
#map1 = affine_map<(d0, d1) -> (0)>
module attributes {stable_mosaic.version = 14 : i64} {
  func.func @_sc_gather_body(%arg0: i32, %arg1: i32, %arg2: memref<10240x128xf32, #tpu.memory_space<hbm>>, %arg3: memref<320xi32, #tpu.memory_space<hbm>>, %arg4: memref<320xi32, #tpu.memory_space<hbm>>, %arg5: memref<320x128xf32, #tpu.memory_space<hbm>>, %arg6: memref<16xi32, #tpu.memory_space<vmem>>, %arg7: memref<16xi32, #tpu.memory_space<vmem>>, %arg8: memref<16xi32, #tpu.memory_space<vmem>>, %arg9: memref<16x128xf32, #tpu.memory_space<vmem>>, %arg10: memref<!tpu.dma_semaphore, #tpu.memory_space<semaphore_mem>>) attributes {dimension_semantics = [#tpu.dimension_semantics<core_parallel>, #tpu.dimension_semantics<subcore_parallel>], iteration_bounds = array<i64: 2, 16>, scalar_prefetch = 0 : i64, scratch_operands = 5 : i64, tpu.core_type = #tpu.core_type<sc_vector_subcore>, window_params = [{transform_indices = #map}, {transform_indices = #map1}, {transform_indices = #map1}, {transform_indices = #map}]} {
    %mul3A = arith.constant 2 : i32
    %mul3A_0 = arith.muli %arg1, %mul3A : i32
    %add3A = arith.addi %mul3A_0, %arg0 : i32
    %lt3A = arith.constant 20 : i32
    %lt3A_1 = arith.cmpi slt, %add3A, %lt3A : i32
    %convert_element_type3A = arith.extui %lt3A_1 : i1 to i32
    %cond3A = arith.constant 0 : i32
    %cond3A_2 = arith.cmpi ne, %convert_element_type3A, %cond3A : i32
    scf.if %cond3A_2 {
      %mul3A_3 = arith.constant 16 : i32
      %mul3A_4 = arith.muli %add3A, %mul3A_3 : i32
      "tpu.region"() ({
        %run_scoped3A = tpu.sem_alloc : memref<!tpu.dma_semaphore, #tpu.memory_space<semaphore_mem>>
        %dma_start3A_21 = tpu.memref_slice %arg3[%mul3A_4] : memref<320xi32, #tpu.memory_space<hbm>> -> memref<16xi32, #tpu.memory_space<hbm>>
        %dma_start3A_22 = tpu.memref_slice %arg3[%mul3A_4] : memref<320xi32, #tpu.memory_space<hbm>> -> memref<16xi32, #tpu.memory_space<hbm>>
        tpu.enqueue_dma source(%dma_start3A_22 : memref<16xi32, #tpu.memory_space<hbm>>) target(%arg6 : memref<16xi32, #tpu.memory_space<vmem>>) target_semaphore(%run_scoped3A : memref<!tpu.dma_semaphore, #tpu.memory_space<semaphore_mem>>)
        %dma_wait3A_23 = tpu.memref_slice %arg3[%mul3A_4] : memref<320xi32, #tpu.memory_space<hbm>> -> memref<16xi32, #tpu.memory_space<hbm>>
        %dma_wait3A_24 = tpu.memref_slice %arg3[%mul3A_4] : memref<320xi32, #tpu.memory_space<hbm>> -> memref<16xi32, #tpu.memory_space<hbm>>
        tpu.wait_dma2 semaphore(%run_scoped3A : memref<!tpu.dma_semaphore, #tpu.memory_space<semaphore_mem>>) src(%dma_wait3A_24 : memref<16xi32, #tpu.memory_space<hbm>>) dst(%arg6 : memref<16xi32, #tpu.memory_space<vmem>>)
        tpu.yield
      }) : () -> ()
      "tpu.region"() ({
        %run_scoped3A = tpu.sem_alloc : memref<!tpu.dma_semaphore, #tpu.memory_space<semaphore_mem>>
        %dma_start3A_21 = tpu.memref_slice %arg4[%mul3A_4] : memref<320xi32, #tpu.memory_space<hbm>> -> memref<16xi32, #tpu.memory_space<hbm>>
        %dma_start3A_22 = tpu.memref_slice %arg4[%mul3A_4] : memref<320xi32, #tpu.memory_space<hbm>> -> memref<16xi32, #tpu.memory_space<hbm>>
        tpu.enqueue_dma source(%dma_start3A_22 : memref<16xi32, #tpu.memory_space<hbm>>) target(%arg7 : memref<16xi32, #tpu.memory_space<vmem>>) target_semaphore(%run_scoped3A : memref<!tpu.dma_semaphore, #tpu.memory_space<semaphore_mem>>)
        %dma_wait3A_23 = tpu.memref_slice %arg4[%mul3A_4] : memref<320xi32, #tpu.memory_space<hbm>> -> memref<16xi32, #tpu.memory_space<hbm>>
        %dma_wait3A_24 = tpu.memref_slice %arg4[%mul3A_4] : memref<320xi32, #tpu.memory_space<hbm>> -> memref<16xi32, #tpu.memory_space<hbm>>
        tpu.wait_dma2 semaphore(%run_scoped3A : memref<!tpu.dma_semaphore, #tpu.memory_space<semaphore_mem>>) src(%dma_wait3A_24 : memref<16xi32, #tpu.memory_space<hbm>>) dst(%arg7 : memref<16xi32, #tpu.memory_space<vmem>>)
        tpu.yield
      }) : () -> ()
      %get3A = arith.constant 0 : index
      %get3A_5 = tpu.vector_load %arg7[%get3A] {strides = array<i32>} : memref<16xi32, #tpu.memory_space<vmem>>, vector<16xi32>,
      %get3A_6 = vector.shape_cast %get3A_5 : vector<16xi32> to vector<16xi32>
      %mul3A_7 = arith.constant 128 : i32
      %mul3A_8 = vector.broadcast %mul3A_7 : i32 to vector<16xi32>
      %mul3A_9 = arith.muli %get3A_6, %mul3A_8 : vector<16xi32>
      %get3A_10 = arith.constant 0 : index
      %get3A_11 = tpu.vector_load %arg6[%get3A_10] {strides = array<i32>} : memref<16xi32, #tpu.memory_space<vmem>>, vector<16xi32>,
      %get3A_12 = vector.shape_cast %get3A_11 : vector<16xi32> to vector<16xi32>
      %add3A_13 = arith.addi %mul3A_9, %get3A_12 : vector<16xi32>
      %swap3A = arith.constant 0 : index
      %swap3A_14 = tpu.vector_load %arg8[%swap3A] {strides = array<i32>} : memref<16xi32, #tpu.memory_space<vmem>>, vector<16xi32>,
      %swap3A_15 = vector.shape_cast %swap3A_14 : vector<16xi32> to vector<16xi32>
      %swap3A_16 = vector.shape_cast %add3A_13 : vector<16xi32> to vector<16xi32>
      tpu.vector_store %arg8[%swap3A], %swap3A_16 {strides = array<i32>} : memref<16xi32, #tpu.memory_space<vmem>>, vector<16xi32>,
      %dma_start3A = arith.constant 0 : i32
      %dma_start3A_17 = arith.constant 0 : i32
      %dma_start3A_18 = tpu.memref_slice %arg2[%dma_start3A, %dma_start3A_17] : memref<10240x128xf32, #tpu.memory_space<hbm>> -> memref<10240x128xf32, #tpu.memory_space<hbm>>
      tpu.enqueue_indirect_dma source(%dma_start3A_18 : memref<10240x128xf32, #tpu.memory_space<hbm>>) target(%arg9 : memref<16x128xf32, #tpu.memory_space<vmem>>) offsets(%arg8 : memref<16xi32, #tpu.memory_space<vmem>>) semaphore(%arg10 : memref<!tpu.dma_semaphore, #tpu.memory_space<semaphore_mem>>)
      %dma_wait3A = arith.constant 0 : i32
      %dma_wait3A_19 = arith.constant 0 : i32
      %dma_wait3A_20 = tpu.memref_slice %arg2[%dma_wait3A, %dma_wait3A_19] : memref<10240x128xf32, #tpu.memory_space<hbm>> -> memref<10240x128xf32, #tpu.memory_space<hbm>>
      tpu.wait_indirect_dma semaphore(%arg10 : memref<!tpu.dma_semaphore, #tpu.memory_space<semaphore_mem>>) src(%dma_wait3A_20 : memref<10240x128xf32, #tpu.memory_space<hbm>>) dst(%arg9 : memref<16x128xf32, #tpu.memory_space<vmem>>)
      "tpu.region"() ({
        %run_scoped3A = tpu.sem_alloc : memref<!tpu.dma_semaphore, #tpu.memory_space<semaphore_mem>>
        %dma_start3A_21 = arith.constant 0 : i32
        %dma_start3A_22 = tpu.memref_slice %arg5[%mul3A_4, %dma_start3A_21] : memref<320x128xf32, #tpu.memory_space<hbm>> -> memref<16x128xf32, #tpu.memory_space<hbm>>
        %dma_start3A_23 = arith.constant 0 : i32
        %dma_start3A_24 = tpu.memref_slice %arg5[%mul3A_4, %dma_start3A_23] : memref<320x128xf32, #tpu.memory_space<hbm>> -> memref<16x128xf32, #tpu.memory_space<hbm>>
        tpu.enqueue_dma source(%arg9 : memref<16x128xf32, #tpu.memory_space<vmem>>) target(%dma_start3A_24 : memref<16x128xf32, #tpu.memory_space<hbm>>) target_semaphore(%run_scoped3A : memref<!tpu.dma_semaphore, #tpu.memory_space<semaphore_mem>>)
        %dma_wait3A_25 = arith.constant 0 : i32
        %dma_wait3A_26 = tpu.memref_slice %arg5[%mul3A_4, %dma_wait3A_25] : memref<320x128xf32, #tpu.memory_space<hbm>> -> memref<16x128xf32, #tpu.memory_space<hbm>>
        %dma_wait3A_27 = arith.constant 0 : i32
        %dma_wait3A_28 = tpu.memref_slice %arg5[%mul3A_4, %dma_wait3A_27] : memref<320x128xf32, #tpu.memory_space<hbm>> -> memref<16x128xf32, #tpu.memory_space<hbm>>
        tpu.wait_dma2 semaphore(%run_scoped3A : memref<!tpu.dma_semaphore, #tpu.memory_space<semaphore_mem>>) src(%arg9 : memref<16x128xf32, #tpu.memory_space<vmem>>) dst(%dma_wait3A_28 : memref<16x128xf32, #tpu.memory_space<hbm>>)
        tpu.yield
      }) : () -> ()
    } else {
    }
    return
  }
}

module attributes {stable_mosaic.version = 14 : i64} {
  func.func @_mm_body(%arg0: i32, %arg1: memref<128x4096xbf16, #tpu.memory_space<vmem>>, %arg2: memref<8x4096x64xi16, #tpu.memory_space<vmem>>, %arg3: memref<8x128x128xf32, #tpu.memory_space<vmem>>, %arg4: memref<4096x512xbf16, #tpu.memory_space<vmem>>) attributes {dimension_semantics = [#tpu.dimension_semantics<arbitrary>], iteration_bounds = array<i64: 10>, scalar_prefetch = 0 : i64, scratch_operands = 1 : i64, tpu.core_type = #tpu.core_type<tc>, window_params = [{pipeline_mode = #tpu.pipeline_mode<synchronous>, transform_indices = @transform_0, window_bounds = array<i64: 128, 4096>}, {transform_indices = @transform_1, window_bounds = array<i64: 8, 4096, 64>}, {transform_indices = @transform_2, window_bounds = array<i64: 8, 128, 128>}]} {
    %get3A = arith.constant 0 : index
    %get3A_0 = arith.constant 0 : index
    %get3A_1 = arith.constant 0 : index
    %get3A_2 = vector.load %arg2[%get3A, %get3A_0, %get3A_1] : memref<8x4096x64xi16, #tpu.memory_space<vmem>>, vector<1x4096x64xi16>
    %get3A_3 = vector.shape_cast %get3A_2 : vector<1x4096x64xi16> to vector<4096x64xi16>
    %convert_element_type3A = arith.extsi %get3A_3 : vector<4096x64xi16> to vector<4096x64xi32>
    %shift_left3A = arith.constant 16 : i32
    %shift_left3A_4 = vector.broadcast %shift_left3A : i32 to vector<4096x64xi32>
    %shift_left3A_5 = arith.shli %convert_element_type3A, %shift_left3A_4 : vector<4096x64xi32>
    %shift_right_arithmetic3A = arith.constant 3 : i32
    %shift_right_arithmetic3A_6 = vector.broadcast %shift_right_arithmetic3A : i32 to vector<4096x64xi32>
    %shift_right_arithmetic3A_7 = arith.shrsi %shift_left3A_5, %shift_right_arithmetic3A_6 : vector<4096x64xi32>
    %and3A = arith.constant -1879048193 : i32
    %and3A_8 = vector.broadcast %and3A : i32 to vector<4096x64xi32>
    %and3A_9 = arith.andi %shift_right_arithmetic3A_7, %and3A_8 : vector<4096x64xi32>
    %bitcast_convert_type3A = tpu.bitcast %and3A_9 : vector<4096x64xi32> -> vector<4096x64xf32>
    %convert_element_type3A_10 = arith.truncf %bitcast_convert_type3A : vector<4096x64xf32> to vector<4096x64xbf16>
    %swap3A = arith.constant 0 : index
    %swap3A_11 = arith.constant 0 : index
    %swap3A_12 = vector.load %arg4[%swap3A, %swap3A_11] : memref<4096x512xbf16, #tpu.memory_space<vmem>>, vector<4096x64xbf16>
    tpu.vector_store %arg4[%swap3A, %swap3A_11], %convert_element_type3A_10 {strides = array<i32>} : memref<4096x512xbf16, #tpu.memory_space<vmem>>, vector<4096x64xbf16>,
    %get3A_13 = arith.constant 1 : index
    %get3A_14 = arith.constant 0 : index
    %get3A_15 = arith.constant 0 : index
    %get3A_16 = vector.load %arg2[%get3A_13, %get3A_14, %get3A_15] : memref<8x4096x64xi16, #tpu.memory_space<vmem>>, vector<1x4096x64xi16>
    %get3A_17 = vector.shape_cast %get3A_16 : vector<1x4096x64xi16> to vector<4096x64xi16>
    %convert_element_type3A_18 = arith.extsi %get3A_17 : vector<4096x64xi16> to vector<4096x64xi32>
    %shift_left3A_19 = arith.constant 16 : i32
    %shift_left3A_20 = vector.broadcast %shift_left3A_19 : i32 to vector<4096x64xi32>
    %shift_left3A_21 = arith.shli %convert_element_type3A_18, %shift_left3A_20 : vector<4096x64xi32>
    %shift_right_arithmetic3A_22 = arith.constant 3 : i32
    %shift_right_arithmetic3A_23 = vector.broadcast %shift_right_arithmetic3A_22 : i32 to vector<4096x64xi32>
    %shift_right_arithmetic3A_24 = arith.shrsi %shift_left3A_21, %shift_right_arithmetic3A_23 : vector<4096x64xi32>
    %and3A_25 = arith.constant -1879048193 : i32
    %and3A_26 = vector.broadcast %and3A_25 : i32 to vector<4096x64xi32>
    %and3A_27 = arith.andi %shift_right_arithmetic3A_24, %and3A_26 : vector<4096x64xi32>
    %bitcast_convert_type3A_28 = tpu.bitcast %and3A_27 : vector<4096x64xi32> -> vector<4096x64xf32>
    %convert_element_type3A_29 = arith.truncf %bitcast_convert_type3A_28 : vector<4096x64xf32> to vector<4096x64xbf16>
    %swap3A_30 = arith.constant 0 : index
    %swap3A_31 = arith.constant 64 : index
    %swap3A_32 = vector.load %arg4[%swap3A_30, %swap3A_31] : memref<4096x512xbf16, #tpu.memory_space<vmem>>, vector<4096x64xbf16>
    tpu.vector_store %arg4[%swap3A_30, %swap3A_31], %convert_element_type3A_29 {strides = array<i32>} : memref<4096x512xbf16, #tpu.memory_space<vmem>>, vector<4096x64xbf16>,
    %get3A_33 = arith.constant 2 : index
    %get3A_34 = arith.constant 0 : index
    %get3A_35 = arith.constant 0 : index
    %get3A_36 = vector.load %arg2[%get3A_33, %get3A_34, %get3A_35] : memref<8x4096x64xi16, #tpu.memory_space<vmem>>, vector<1x4096x64xi16>
    %get3A_37 = vector.shape_cast %get3A_36 : vector<1x4096x64xi16> to vector<4096x64xi16>
    %convert_element_type3A_38 = arith.extsi %get3A_37 : vector<4096x64xi16> to vector<4096x64xi32>
    %shift_left3A_39 = arith.constant 16 : i32
    %shift_left3A_40 = vector.broadcast %shift_left3A_39 : i32 to vector<4096x64xi32>
    %shift_left3A_41 = arith.shli %convert_element_type3A_38, %shift_left3A_40 : vector<4096x64xi32>
    %shift_right_arithmetic3A_42 = arith.constant 3 : i32
    %shift_right_arithmetic3A_43 = vector.broadcast %shift_right_arithmetic3A_42 : i32 to vector<4096x64xi32>
    %shift_right_arithmetic3A_44 = arith.shrsi %shift_left3A_41, %shift_right_arithmetic3A_43 : vector<4096x64xi32>
    %and3A_45 = arith.constant -1879048193 : i32
    %and3A_46 = vector.broadcast %and3A_45 : i32 to vector<4096x64xi32>
    %and3A_47 = arith.andi %shift_right_arithmetic3A_44, %and3A_46 : vector<4096x64xi32>
    %bitcast_convert_type3A_48 = tpu.bitcast %and3A_47 : vector<4096x64xi32> -> vector<4096x64xf32>
    %convert_element_type3A_49 = arith.truncf %bitcast_convert_type3A_48 : vector<4096x64xf32> to vector<4096x64xbf16>
    %swap3A_50 = arith.constant 0 : index
    %swap3A_51 = arith.constant 128 : index
    %swap3A_52 = vector.load %arg4[%swap3A_50, %swap3A_51] : memref<4096x512xbf16, #tpu.memory_space<vmem>>, vector<4096x64xbf16>
    tpu.vector_store %arg4[%swap3A_50, %swap3A_51], %convert_element_type3A_49 {strides = array<i32>} : memref<4096x512xbf16, #tpu.memory_space<vmem>>, vector<4096x64xbf16>,
    %get3A_53 = arith.constant 3 : index
    %get3A_54 = arith.constant 0 : index
    %get3A_55 = arith.constant 0 : index
    %get3A_56 = vector.load %arg2[%get3A_53, %get3A_54, %get3A_55] : memref<8x4096x64xi16, #tpu.memory_space<vmem>>, vector<1x4096x64xi16>
    %get3A_57 = vector.shape_cast %get3A_56 : vector<1x4096x64xi16> to vector<4096x64xi16>
    %convert_element_type3A_58 = arith.extsi %get3A_57 : vector<4096x64xi16> to vector<4096x64xi32>
    %shift_left3A_59 = arith.constant 16 : i32
    %shift_left3A_60 = vector.broadcast %shift_left3A_59 : i32 to vector<4096x64xi32>
    %shift_left3A_61 = arith.shli %convert_element_type3A_58, %shift_left3A_60 : vector<4096x64xi32>
    %shift_right_arithmetic3A_62 = arith.constant 3 : i32
    %shift_right_arithmetic3A_63 = vector.broadcast %shift_right_arithmetic3A_62 : i32 to vector<4096x64xi32>
    %shift_right_arithmetic3A_64 = arith.shrsi %shift_left3A_61, %shift_right_arithmetic3A_63 : vector<4096x64xi32>
    %and3A_65 = arith.constant -1879048193 : i32
    %and3A_66 = vector.broadcast %and3A_65 : i32 to vector<4096x64xi32>
    %and3A_67 = arith.andi %shift_right_arithmetic3A_64, %and3A_66 : vector<4096x64xi32>
    %bitcast_convert_type3A_68 = tpu.bitcast %and3A_67 : vector<4096x64xi32> -> vector<4096x64xf32>
    %convert_element_type3A_69 = arith.truncf %bitcast_convert_type3A_68 : vector<4096x64xf32> to vector<4096x64xbf16>
    %swap3A_70 = arith.constant 0 : index
    %swap3A_71 = arith.constant 192 : index
    %swap3A_72 = vector.load %arg4[%swap3A_70, %swap3A_71] : memref<4096x512xbf16, #tpu.memory_space<vmem>>, vector<4096x64xbf16>
    tpu.vector_store %arg4[%swap3A_70, %swap3A_71], %convert_element_type3A_69 {strides = array<i32>} : memref<4096x512xbf16, #tpu.memory_space<vmem>>, vector<4096x64xbf16>,
    %get3A_73 = arith.constant 4 : index
    %get3A_74 = arith.constant 0 : index
    %get3A_75 = arith.constant 0 : index
    %get3A_76 = vector.load %arg2[%get3A_73, %get3A_74, %get3A_75] : memref<8x4096x64xi16, #tpu.memory_space<vmem>>, vector<1x4096x64xi16>
    %get3A_77 = vector.shape_cast %get3A_76 : vector<1x4096x64xi16> to vector<4096x64xi16>
    %convert_element_type3A_78 = arith.extsi %get3A_77 : vector<4096x64xi16> to vector<4096x64xi32>
    %shift_left3A_79 = arith.constant 16 : i32
    %shift_left3A_80 = vector.broadcast %shift_left3A_79 : i32 to vector<4096x64xi32>
    %shift_left3A_81 = arith.shli %convert_element_type3A_78, %shift_left3A_80 : vector<4096x64xi32>
    %shift_right_arithmetic3A_82 = arith.constant 3 : i32
    %shift_right_arithmetic3A_83 = vector.broadcast %shift_right_arithmetic3A_82 : i32 to vector<4096x64xi32>
    %shift_right_arithmetic3A_84 = arith.shrsi %shift_left3A_81, %shift_right_arithmetic3A_83 : vector<4096x64xi32>
    %and3A_85 = arith.constant -1879048193 : i32
    %and3A_86 = vector.broadcast %and3A_85 : i32 to vector<4096x64xi32>
    %and3A_87 = arith.andi %shift_right_arithmetic3A_84, %and3A_86 : vector<4096x64xi32>
    %bitcast_convert_type3A_88 = tpu.bitcast %and3A_87 : vector<4096x64xi32> -> vector<4096x64xf32>
    %convert_element_type3A_89 = arith.truncf %bitcast_convert_type3A_88 : vector<4096x64xf32> to vector<4096x64xbf16>
    %swap3A_90 = arith.constant 0 : index
    %swap3A_91 = arith.constant 256 : index
    %swap3A_92 = vector.load %arg4[%swap3A_90, %swap3A_91] : memref<4096x512xbf16, #tpu.memory_space<vmem>>, vector<4096x64xbf16>
    tpu.vector_store %arg4[%swap3A_90, %swap3A_91], %convert_element_type3A_89 {strides = array<i32>} : memref<4096x512xbf16, #tpu.memory_space<vmem>>, vector<4096x64xbf16>,
    %get3A_93 = arith.constant 5 : index
    %get3A_94 = arith.constant 0 : index
    %get3A_95 = arith.constant 0 : index
    %get3A_96 = vector.load %arg2[%get3A_93, %get3A_94, %get3A_95] : memref<8x4096x64xi16, #tpu.memory_space<vmem>>, vector<1x4096x64xi16>
    %get3A_97 = vector.shape_cast %get3A_96 : vector<1x4096x64xi16> to vector<4096x64xi16>
    %convert_element_type3A_98 = arith.extsi %get3A_97 : vector<4096x64xi16> to vector<4096x64xi32>
    %shift_left3A_99 = arith.constant 16 : i32
    %shift_left3A_100 = vector.broadcast %shift_left3A_99 : i32 to vector<4096x64xi32>
    %shift_left3A_101 = arith.shli %convert_element_type3A_98, %shift_left3A_100 : vector<4096x64xi32>
    %shift_right_arithmetic3A_102 = arith.constant 3 : i32
    %shift_right_arithmetic3A_103 = vector.broadcast %shift_right_arithmetic3A_102 : i32 to vector<4096x64xi32>
    %shift_right_arithmetic3A_104 = arith.shrsi %shift_left3A_101, %shift_right_arithmetic3A_103 : vector<4096x64xi32>
    %and3A_105 = arith.constant -1879048193 : i32
    %and3A_106 = vector.broadcast %and3A_105 : i32 to vector<4096x64xi32>
    %and3A_107 = arith.andi %shift_right_arithmetic3A_104, %and3A_106 : vector<4096x64xi32>
    %bitcast_convert_type3A_108 = tpu.bitcast %and3A_107 : vector<4096x64xi32> -> vector<4096x64xf32>
    %convert_element_type3A_109 = arith.truncf %bitcast_convert_type3A_108 : vector<4096x64xf32> to vector<4096x64xbf16>
    %swap3A_110 = arith.constant 0 : index
    %swap3A_111 = arith.constant 320 : index
    %swap3A_112 = vector.load %arg4[%swap3A_110, %swap3A_111] : memref<4096x512xbf16, #tpu.memory_space<vmem>>, vector<4096x64xbf16>
    tpu.vector_store %arg4[%swap3A_110, %swap3A_111], %convert_element_type3A_109 {strides = array<i32>} : memref<4096x512xbf16, #tpu.memory_space<vmem>>, vector<4096x64xbf16>,
    %get3A_113 = arith.constant 6 : index
    %get3A_114 = arith.constant 0 : index
    %get3A_115 = arith.constant 0 : index
    %get3A_116 = vector.load %arg2[%get3A_113, %get3A_114, %get3A_115] : memref<8x4096x64xi16, #tpu.memory_space<vmem>>, vector<1x4096x64xi16>
    %get3A_117 = vector.shape_cast %get3A_116 : vector<1x4096x64xi16> to vector<4096x64xi16>
    %convert_element_type3A_118 = arith.extsi %get3A_117 : vector<4096x64xi16> to vector<4096x64xi32>
    %shift_left3A_119 = arith.constant 16 : i32
    %shift_left3A_120 = vector.broadcast %shift_left3A_119 : i32 to vector<4096x64xi32>
    %shift_left3A_121 = arith.shli %convert_element_type3A_118, %shift_left3A_120 : vector<4096x64xi32>
    %shift_right_arithmetic3A_122 = arith.constant 3 : i32
    %shift_right_arithmetic3A_123 = vector.broadcast %shift_right_arithmetic3A_122 : i32 to vector<4096x64xi32>
    %shift_right_arithmetic3A_124 = arith.shrsi %shift_left3A_121, %shift_right_arithmetic3A_123 : vector<4096x64xi32>
    %and3A_125 = arith.constant -1879048193 : i32
    %and3A_126 = vector.broadcast %and3A_125 : i32 to vector<4096x64xi32>
    %and3A_127 = arith.andi %shift_right_arithmetic3A_124, %and3A_126 : vector<4096x64xi32>
    %bitcast_convert_type3A_128 = tpu.bitcast %and3A_127 : vector<4096x64xi32> -> vector<4096x64xf32>
    %convert_element_type3A_129 = arith.truncf %bitcast_convert_type3A_128 : vector<4096x64xf32> to vector<4096x64xbf16>
    %swap3A_130 = arith.constant 0 : index
    %swap3A_131 = arith.constant 384 : index
    %swap3A_132 = vector.load %arg4[%swap3A_130, %swap3A_131] : memref<4096x512xbf16, #tpu.memory_space<vmem>>, vector<4096x64xbf16>
    tpu.vector_store %arg4[%swap3A_130, %swap3A_131], %convert_element_type3A_129 {strides = array<i32>} : memref<4096x512xbf16, #tpu.memory_space<vmem>>, vector<4096x64xbf16>,
    %get3A_133 = arith.constant 7 : index
    %get3A_134 = arith.constant 0 : index
    %get3A_135 = arith.constant 0 : index
    %get3A_136 = vector.load %arg2[%get3A_133, %get3A_134, %get3A_135] : memref<8x4096x64xi16, #tpu.memory_space<vmem>>, vector<1x4096x64xi16>
    %get3A_137 = vector.shape_cast %get3A_136 : vector<1x4096x64xi16> to vector<4096x64xi16>
    %convert_element_type3A_138 = arith.extsi %get3A_137 : vector<4096x64xi16> to vector<4096x64xi32>
    %shift_left3A_139 = arith.constant 16 : i32
    %shift_left3A_140 = vector.broadcast %shift_left3A_139 : i32 to vector<4096x64xi32>
    %shift_left3A_141 = arith.shli %convert_element_type3A_138, %shift_left3A_140 : vector<4096x64xi32>
    %shift_right_arithmetic3A_142 = arith.constant 3 : i32
    %shift_right_arithmetic3A_143 = vector.broadcast %shift_right_arithmetic3A_142 : i32 to vector<4096x64xi32>
    %shift_right_arithmetic3A_144 = arith.shrsi %shift_left3A_141, %shift_right_arithmetic3A_143 : vector<4096x64xi32>
    %and3A_145 = arith.constant -1879048193 : i32
    %and3A_146 = vector.broadcast %and3A_145 : i32 to vector<4096x64xi32>
    %and3A_147 = arith.andi %shift_right_arithmetic3A_144, %and3A_146 : vector<4096x64xi32>
    %bitcast_convert_type3A_148 = tpu.bitcast %and3A_147 : vector<4096x64xi32> -> vector<4096x64xf32>
    %convert_element_type3A_149 = arith.truncf %bitcast_convert_type3A_148 : vector<4096x64xf32> to vector<4096x64xbf16>
    %swap3A_150 = arith.constant 0 : index
    %swap3A_151 = arith.constant 448 : index
    %swap3A_152 = vector.load %arg4[%swap3A_150, %swap3A_151] : memref<4096x512xbf16, #tpu.memory_space<vmem>>, vector<4096x64xbf16>
    tpu.vector_store %arg4[%swap3A_150, %swap3A_151], %convert_element_type3A_149 {strides = array<i32>} : memref<4096x512xbf16, #tpu.memory_space<vmem>>, vector<4096x64xbf16>,
    %get3A_153 = arith.constant 0 : index
    %get3A_154 = arith.constant 0 : index
    %get3A_155 = vector.load %arg1[%get3A_153, %get3A_154] : memref<128x4096xbf16, #tpu.memory_space<vmem>>, vector<128x4096xbf16>
    %get3A_156 = arith.constant 0 : index
    %get3A_157 = arith.constant 0 : index
    %get3A_158 = vector.load %arg4[%get3A_156, %get3A_157] : memref<4096x512xbf16, #tpu.memory_space<vmem>>, vector<4096x512xbf16>
    %dot_general3A = arith.constant dense<0.000000e+00> : vector<128x512xf32>
    %dot_general3A_159 = tpu.matmul %get3A_155, %get3A_158, %dot_general3A {dimension_numbers = #tpu.dot_dimension_numbers<[1], [0], [0], [1], [0, 0, 1, 1], [], []>, transpose_lhs_hint = false} : vector<128x4096xbf16>, vector<4096x512xbf16>, vector<128x512xf32> -> vector<128x512xf32>
    %mul3A = arith.constant 7.2057594E+16 : f32
    %mul3A_160 = vector.broadcast %mul3A : f32 to vector<128x512xf32>
    %mul3A_161 = arith.mulf %dot_general3A_159, %mul3A_160 : vector<128x512xf32>
    %slice3A = vector.extract_strided_slice %mul3A_161 {offsets = [0, 0], sizes = [128, 64], strides = [1, 1]} : vector<128x512xf32> to vector<128x64xf32>
    %swap3A_162 = arith.constant 0 : index
    %swap3A_163 = arith.constant 0 : index
    %swap3A_164 = arith.constant 0 : index
    %swap3A_165 = vector.load %arg3[%swap3A_162, %swap3A_163, %swap3A_164] : memref<8x128x128xf32, #tpu.memory_space<vmem>>, vector<1x128x64xf32>
    %swap3A_166 = vector.shape_cast %swap3A_165 : vector<1x128x64xf32> to vector<128x64xf32>
    %swap3A_167 = vector.shape_cast %slice3A : vector<128x64xf32> to vector<1x128x64xf32>
    tpu.vector_store %arg3[%swap3A_162, %swap3A_163, %swap3A_164], %swap3A_167 {strides = array<i32>} : memref<8x128x128xf32, #tpu.memory_space<vmem>>, vector<1x128x64xf32>,
    %slice3A_168 = vector.extract_strided_slice %mul3A_161 {offsets = [0, 64], sizes = [128, 64], strides = [1, 1]} : vector<128x512xf32> to vector<128x64xf32>
    %swap3A_169 = arith.constant 1 : index
    %swap3A_170 = arith.constant 0 : index
    %swap3A_171 = arith.constant 0 : index
    %swap3A_172 = vector.load %arg3[%swap3A_169, %swap3A_170, %swap3A_171] : memref<8x128x128xf32, #tpu.memory_space<vmem>>, vector<1x128x64xf32>
    %swap3A_173 = vector.shape_cast %swap3A_172 : vector<1x128x64xf32> to vector<128x64xf32>
    %swap3A_174 = vector.shape_cast %slice3A_168 : vector<128x64xf32> to vector<1x128x64xf32>
    tpu.vector_store %arg3[%swap3A_169, %swap3A_170, %swap3A_171], %swap3A_174 {strides = array<i32>} : memref<8x128x128xf32, #tpu.memory_space<vmem>>, vector<1x128x64xf32>,
    %slice3A_175 = vector.extract_strided_slice %mul3A_161 {offsets = [0, 128], sizes = [128, 64], strides = [1, 1]} : vector<128x512xf32> to vector<128x64xf32>
    %swap3A_176 = arith.constant 2 : index
    %swap3A_177 = arith.constant 0 : index
    %swap3A_178 = arith.constant 0 : index
    %swap3A_179 = vector.load %arg3[%swap3A_176, %swap3A_177, %swap3A_178] : memref<8x128x128xf32, #tpu.memory_space<vmem>>, vector<1x128x64xf32>
    %swap3A_180 = vector.shape_cast %swap3A_179 : vector<1x128x64xf32> to vector<128x64xf32>
    %swap3A_181 = vector.shape_cast %slice3A_175 : vector<128x64xf32> to vector<1x128x64xf32>
    tpu.vector_store %arg3[%swap3A_176, %swap3A_177, %swap3A_178], %swap3A_181 {strides = array<i32>} : memref<8x128x128xf32, #tpu.memory_space<vmem>>, vector<1x128x64xf32>,
    %slice3A_182 = vector.extract_strided_slice %mul3A_161 {offsets = [0, 192], sizes = [128, 64], strides = [1, 1]} : vector<128x512xf32> to vector<128x64xf32>
    %swap3A_183 = arith.constant 3 : index
    %swap3A_184 = arith.constant 0 : index
    %swap3A_185 = arith.constant 0 : index
    %swap3A_186 = vector.load %arg3[%swap3A_183, %swap3A_184, %swap3A_185] : memref<8x128x128xf32, #tpu.memory_space<vmem>>, vector<1x128x64xf32>
    %swap3A_187 = vector.shape_cast %swap3A_186 : vector<1x128x64xf32> to vector<128x64xf32>
    %swap3A_188 = vector.shape_cast %slice3A_182 : vector<128x64xf32> to vector<1x128x64xf32>
    tpu.vector_store %arg3[%swap3A_183, %swap3A_184, %swap3A_185], %swap3A_188 {strides = array<i32>} : memref<8x128x128xf32, #tpu.memory_space<vmem>>, vector<1x128x64xf32>,
    %slice3A_189 = vector.extract_strided_slice %mul3A_161 {offsets = [0, 256], sizes = [128, 64], strides = [1, 1]} : vector<128x512xf32> to vector<128x64xf32>
    %swap3A_190 = arith.constant 4 : index
    %swap3A_191 = arith.constant 0 : index
    %swap3A_192 = arith.constant 0 : index
    %swap3A_193 = vector.load %arg3[%swap3A_190, %swap3A_191, %swap3A_192] : memref<8x128x128xf32, #tpu.memory_space<vmem>>, vector<1x128x64xf32>
    %swap3A_194 = vector.shape_cast %swap3A_193 : vector<1x128x64xf32> to vector<128x64xf32>
    %swap3A_195 = vector.shape_cast %slice3A_189 : vector<128x64xf32> to vector<1x128x64xf32>
    tpu.vector_store %arg3[%swap3A_190, %swap3A_191, %swap3A_192], %swap3A_195 {strides = array<i32>} : memref<8x128x128xf32, #tpu.memory_space<vmem>>, vector<1x128x64xf32>,
    %slice3A_196 = vector.extract_strided_slice %mul3A_161 {offsets = [0, 320], sizes = [128, 64], strides = [1, 1]} : vector<128x512xf32> to vector<128x64xf32>
    %swap3A_197 = arith.constant 5 : index
    %swap3A_198 = arith.constant 0 : index
    %swap3A_199 = arith.constant 0 : index
    %swap3A_200 = vector.load %arg3[%swap3A_197, %swap3A_198, %swap3A_199] : memref<8x128x128xf32, #tpu.memory_space<vmem>>, vector<1x128x64xf32>
    %swap3A_201 = vector.shape_cast %swap3A_200 : vector<1x128x64xf32> to vector<128x64xf32>
    %swap3A_202 = vector.shape_cast %slice3A_196 : vector<128x64xf32> to vector<1x128x64xf32>
    tpu.vector_store %arg3[%swap3A_197, %swap3A_198, %swap3A_199], %swap3A_202 {strides = array<i32>} : memref<8x128x128xf32, #tpu.memory_space<vmem>>, vector<1x128x64xf32>,
    %slice3A_203 = vector.extract_strided_slice %mul3A_161 {offsets = [0, 384], sizes = [128, 64], strides = [1, 1]} : vector<128x512xf32> to vector<128x64xf32>
    %swap3A_204 = arith.constant 6 : index
    %swap3A_205 = arith.constant 0 : index
    %swap3A_206 = arith.constant 0 : index
    %swap3A_207 = vector.load %arg3[%swap3A_204, %swap3A_205, %swap3A_206] : memref<8x128x128xf32, #tpu.memory_space<vmem>>, vector<1x128x64xf32>
    %swap3A_208 = vector.shape_cast %swap3A_207 : vector<1x128x64xf32> to vector<128x64xf32>
    %swap3A_209 = vector.shape_cast %slice3A_203 : vector<128x64xf32> to vector<1x128x64xf32>
    tpu.vector_store %arg3[%swap3A_204, %swap3A_205, %swap3A_206], %swap3A_209 {strides = array<i32>} : memref<8x128x128xf32, #tpu.memory_space<vmem>>, vector<1x128x64xf32>,
    %slice3A_210 = vector.extract_strided_slice %mul3A_161 {offsets = [0, 448], sizes = [128, 64], strides = [1, 1]} : vector<128x512xf32> to vector<128x64xf32>
    %swap3A_211 = arith.constant 7 : index
    %swap3A_212 = arith.constant 0 : index
    %swap3A_213 = arith.constant 0 : index
    %swap3A_214 = vector.load %arg3[%swap3A_211, %swap3A_212, %swap3A_213] : memref<8x128x128xf32, #tpu.memory_space<vmem>>, vector<1x128x64xf32>
    %swap3A_215 = vector.shape_cast %swap3A_214 : vector<1x128x64xf32> to vector<128x64xf32>
    %swap3A_216 = vector.shape_cast %slice3A_210 : vector<128x64xf32> to vector<1x128x64xf32>
    tpu.vector_store %arg3[%swap3A_211, %swap3A_212, %swap3A_213], %swap3A_216 {strides = array<i32>} : memref<8x128x128xf32, #tpu.memory_space<vmem>>, vector<1x128x64xf32>,
    return
  }
  func.func @transform_0(%arg0: i32) -> (i32, i32) {
    %c0_i32 = arith.constant 0 : i32
    %c0_i32_0 = arith.constant 0 : i32
    %c0_i32_1 = arith.constant 0 : i32
    return %c0_i32, %c0_i32_0 : i32, i32
  }
  func.func @transform_1(%arg0: i32) -> (i32, i32, i32) {
    %c0_i32 = arith.constant 0 : i32
    %c0_i32_0 = arith.constant 0 : i32
    %c0_i32_1 = arith.constant 0 : i32
    return %arg0, %c0_i32, %c0_i32_0 : i32, i32, i32
  }
  func.func @transform_2(%arg0: i32) -> (i32, i32, i32) {
    %c0_i32 = arith.constant 0 : i32
    %c0_i32_0 = arith.constant 0 : i32
    %c0_i32_1 = arith.constant 0 : i32
    return %arg0, %c0_i32, %c0_i32_0 : i32, i32, i32
  }
}

</mosaic_0001>

<sc_bundles>
// kernel: kernel.4.cloned.1.call-start
scs
__scs_entry_jumppad:
0x0: {  	(pc) =	sbr.rel $0x88, $3  }
0x1: {  	(tag) =	ssettag $0x0;
	lr =	simm.s32 $0x1  }
0x2: {  	[smem:$0x3F9D] =	sst lr;
	_ =	strace $0xD0000000  }
0x3: {  	_ = 	snop  }
0x4: {  	_ = 	snop  }
0x5: {  	_ = 	snop  }
0x6: {  	_ = 	snop  }
0x7: {  	_ = 	snop  }
__scs_overlays_trampoline_lowered:
0x8: {  	[smem:$0x3FAC] =	sst s0  }
0x9: {  	[smem:$0x3FAD] =	sst s1  }
0xa: {  	[smem:$0x3FAE] =	sst s2  }
0xb: {  	[smem:$0x3FAF] =	sst s3  }
0xc: {  	[smem:$0x3FB0] =	sst s4  }
0xd: {  	[smem:$0x3FB1] =	sst s5  }
0xe: {  	[smem:$0x3FB2] =	sst s6  }
0xf: {  	[smem:$0x3FB3] =	sst s7  }
0x10: {  	[smem:$0x3FB4] =	sst s8  }
0x11: {  	[smem:$0x3FB5] =	sst s9;
	s0 =	simm.s32 @!p0 $0x0  }
0x12: {  	s1 =	sld [smem:$0x3F9B];
	s0 =	simm.s32 @p0 $0x1  }
0x13: {  	[smem:$0x3FB6] =	sst s0;
	s0 =	simm.s32 @!p1 $0x0  }
0x14: {  	s2 =	sld [smem:$0x3F9A];
	s0 =	simm.s32 @p1 $0x1  }
0x15: {  	[smem:$0x3FB7] =	sst s0;
	s0 =	simm.s32 @!p2 $0x0  }
0x16: {  	s3 =	sld [smem:$0x3FDB];
	s0 =	simm.s32 @p2 $0x1  }
0x17: {  	s4 =	simm.s32 $0x1BF5;
	[smem:$0x3FB9] =	sst s0  }
0x18: {  	s0 =	sld [smem:$0x3F9C];
	_ =	swait.ge [sflag:s4], $0x0  }
0x19: {  	s7 =	sld [smem:$0x3F9D]  }
0x1a: {  	s8 =	sadd.s32 $0xFFFFE003, lr  }
0x1b: {  	s9 =	sadd.s32 $0xFFFFFEF7, lr;
	s5 =	simm.s32 $0xFFFFFFFF;
	p2 =	slt.u32 s8, $0xFFFFF086  }
0x1c: {  	p1 =	slt.u32 s9, $0xF7A;
	s5 =	simm.s32 @!p2 $0x0  }
0x1d: {  	s5 =	simm.s32 @p1 $0x1;
	p0 =	seq.s32 s7, s2  }
0x1e: {  	s7 =	smul.u32 @!p0 $0xF7A, s2;
	p2 =	seq.s32 @!p0 s5, $0x0  }
0x1f: {  	s9 =	smul.u32 $0xF7A, s1;
	s8 =	simm.s32 @!p0 $0x1BF5;
	p2 =	por !p2, p0  }
0x20: {  	[sflag:s8] =	ssyncset.s32 @!p0 $0xFFFFF086;
	s6 =	sadd.s32 @!p0 s3, s7;
	s7 =	simm.s32 @!p0 $0x108  }
0x21: {  	s3 =	sadd.s32 s3, s9;
	s6 =	sadd.s32 @!p0 $0x88, s6;
	s7 =	simm.s32 @p2 $0x1082  }
0x22: {  	[simem:s7], [sflag:s8] =	dma.local @!p0 [hbm:s6], $0xF7A  }
0x23: {  	s9 =	sor.u32 $0xD0000000, s2;
	s6 =	simm.s32 $0x108;
	_ =	swait.ge @!p0 [sflag:s8], $0x0  }
0x24: {  	s3 =	sadd.s32 $0x88, s3;
	s6 =	simm.s32 @!p1 $0x1082;
	[sflag:s4] =	ssyncset.s32 $0xFFFFF086  }
0x25: {  	[simem:s6], [sflag:s4] =	dma.local [hbm:s3], $0xF7A  }
0x26: {  	[smem:$0x3F9D] =	sst s1;
	(tag) =	ssettag s2;
	_ =	strace s9  }
0x27: {  	s1 =	sld [smem:$0x3FAD]  }
0x28: {  	s2 =	sld [smem:$0x3FAE]  }
0x29: {  	s4 =	sld [smem:$0x3FB0]  }
0x2a: {  	p0 =	seq.s32 s5, $0x0;
	s5 =	sld [smem:$0x3FB1]  }
0x2b: {  	s6 =	sld [smem:$0x3FB2]  }
0x2c: {  	s7 =	sld [smem:$0x3FB3]  }
0x2d: {  	s3 =	simm.s32 $0x108;
	s8 =	sld [smem:$0x3FB4]  }
0x2e: {  	s3 =	simm.s32 @!p0 $0x1082;
	s9 =	sld [smem:$0x3FB5]  }
0x2f: {  	lr =	sadd.s32 s0, s3;
	s0 =	sld [smem:$0x3FAC]  }
0x30: {  	s3 =	sld [smem:$0x3FAF]  }
0x31: {  	[smem:$0x3FB8] =	sst s10  }
0x32: {  	s10 =	sld [smem:$0x3FB6];
	_ =	sdelay $0x3  }
0x33: {  	p0 =	seq.s32 s10, $0x1;
	s10 =	sld [smem:$0x3FB8];
	_ =	sdelay $0x3  }
0x34: {  	[smem:$0x3FB8] =	sst s10  }
0x35: {  	s10 =	sld [smem:$0x3FB7];
	_ =	sdelay $0x3  }
0x36: {  	p1 =	seq.s32 s10, $0x1;
	s10 =	sld [smem:$0x3FB8];
	_ =	sdelay $0x3  }
0x37: {  	[smem:$0x3FB8] =	sst s10  }
0x38: {  	s10 =	sld [smem:$0x3FB9]  }
0x39: {  	_ = 	snop;
	(pc) =	sbr.ind lr, $3  }
0x3a: {  	_ = 	snop  }
0x3b: {  	_ = 	snop  }
0x3c: {  	p2 =	seq.s32 s10, $0x1;
	s10 =	sld [smem:$0x3FB8]  }
0x3d: {  	_ =	shalt  }
0x3e: {  	_ =	shalt  }
0x3f: {  	_ =	shalt  }
0x40: {  	_ =	shalt  }
0x41: {  	_ =	shalt  }
0x42: {  	_ =	shalt  }
0x43: {  	_ =	shalt  }
0x44: {  	_ =	shalt  }
0x45: {  	_ =	shalt  }
0x46: {  	_ =	shalt  }
0x47: {  	_ =	shalt  }
0x48: {  	_ =	shalt  }
0x49: {  	_ =	shalt  }
0x4a: {  	_ =	shalt  }
0x4b: {  	_ =	shalt  }
0x4c: {  	_ =	shalt  }
0x4d: {  	_ =	shalt  }
0x4e: {  	_ =	shalt  }
0x4f: {  	_ =	shalt  }
0x50: {  	_ =	shalt  }
0x51: {  	_ =	shalt  }
0x52: {  	_ =	shalt  }
0x53: {  	_ =	shalt  }
0x54: {  	_ =	shalt  }
0x55: {  	_ =	shalt  }
0x56: {  	_ =	shalt  }
0x57: {  	_ =	shalt  }
0x58: {  	_ =	shalt  }
0x59: {  	_ =	shalt  }
0x5a: {  	_ =	shalt  }
0x5b: {  	_ =	shalt  }
0x5c: {  	_ =	shalt  }
0x5d: {  	_ =	shalt  }
0x5e: {  	_ =	shalt  }
0x5f: {  	_ =	shalt  }
0x60: {  	_ =	shalt  }
0x61: {  	_ =	shalt  }
0x62: {  	_ =	shalt  }
0x63: {  	_ =	shalt  }
0x64: {  	_ =	shalt  }
0x65: {  	_ =	shalt  }
0x66: {  	_ =	shalt  }
0x67: {  	_ =	shalt  }
0x68: {  	_ =	shalt  }
0x69: {  	_ =	shalt  }
0x6a: {  	_ =	shalt  }
0x6b: {  	_ =	shalt  }
0x6c: {  	_ =	shalt  }
0x6d: {  	_ =	shalt  }
0x6e: {  	_ =	shalt  }
0x6f: {  	_ =	shalt  }
0x70: {  	_ =	shalt  }
0x71: {  	_ =	shalt  }
0x72: {  	_ =	shalt  }
0x73: {  	_ =	shalt  }
0x74: {  	_ =	shalt  }
0x75: {  	_ =	shalt  }
0x76: {  	_ =	shalt  }
0x77: {  	_ =	shalt  }
0x78: {  	_ =	shalt  }
0x79: {  	_ =	shalt  }
0x7a: {  	_ =	shalt  }
0x7b: {  	_ =	shalt  }
0x7c: {  	_ =	shalt  }
0x7d: {  	_ =	shalt  }
0x7e: {  	_ =	shalt  }
0x7f: {  	_ =	shalt  }
0x80: {  	_ =	shalt  }
0x81: {  	_ =	shalt  }
0x82: {  	_ =	shalt  }
0x83: {  	_ =	shalt  }
0x84: {  	_ =	shalt  }
0x85: {  	_ =	shalt  }
0x86: {  	_ =	shalt  }
0x87: {  	_ =	shalt  }
.Lfunc_end0:
.L_simem_size_0:
called_computation_lowered:
.L_overlay_start_0:
0x88: {  	s2 =	sld [smem:$0x3FD9]  }
0x89: {  	s3 =	sld [smem:$0x3FFE];
	_ =	sdelay $0x1  }
0x8a: {  	s1 =	srdreg.scid  }
0x8b: {  	s0 =	sand.u32 $0x1, s1  }
0x8c: {  	s17 =	sshll.u32 s0, $0xA;
	s2 =	sadd.s32 s3, s2  }
0x8d: {  	s2 =	sadd.s32 s2, s17  }
0x8e: {  	[smem:$0x3FC4] =	sst s2  }
0x8f: {  	_ = 	snop  }
0x90: {  	s2 =	sld [smem:$0x3FC8]  }
0x91: {  	s18 =	sld [smem:$0x3FC7];
	(tm) =	ssettm $0x1  }
0x92: {  	s4 =	sld [smem:$0x3FFB];
	_ =	sdelay $0x3  }
0x93: {  	_ =	strace s4  }
0x94: {  	s4 =	sld [smem:$0x3FFC];
	_ =	sdelay $0x3  }
0x95: {  	_ =	strace s4  }
0x96: {  	s4 =	sld [smem:$0x3FFD];
	_ =	sdelay $0x3  }
0x97: {  	_ =	strace s4  }
0x98: {  	_ =	strace $0x8FFFFFFF  }
0x99: {  	s19 =	sld [smem:$0x3FDB];
	_ =	sdelay $0x1  }
0x9a: {  	s5 =	simm.s32 $_scs_section_size  }
0x9b: {  	s6 =	simm.s32 $_size__tile_overlayer_lowered;
	s7 =	simm.s32 $_tile_overlayer_lowered  }
0x9c: {  	s22 =	simm.s32 $0x1BFF;
	s21 =	sshll.u32 s7, $0x1;
	s4 =	sadd.s32 s5, s19  }
0x9d: {  	s8 =	simm.s32 $0x0;
	s20 =	sshll.u32 s6, $0x1;
	s6 =	sadd.s32 s21, s4  }
0x9e: {  	[timem:s8], [sflag:s22] =	dma.local [hbm:s6], s20  }
0x9f: {  	_ =	swait.ge [sflag:s22], s20  }
0xa0: {  	s5 =	ssub.s32 $0x0, s20;
	[sflag:s22] =	ssyncset.done $0x0  }
0xa1: {  	[sflag:s22] =	ssyncadd.s32 s5;
	_ =	sdelay $0x1  }
0xa2: {  	s23 =	simm.s32 $0x1B8B  }
0xa3: {  	_ =	swait.ge [sflag:s23], $0x1  }
0xa4: {  	[sflag:s23] =	ssyncset.done $0x0  }
0xa5: {  	s25 =	simm.s32 $0x1B8E;
	s24 =	sld [smem:$0x3FFE];
	[sflag:s23] =	ssyncadd.s32 $0xFFFFFFFF  }
0xa6: {  	s26 =	simm.s32 $execute0_lowered;
	[smem:$0x3FD2] =	sst s25  }
0xa7: {  	s6 =	sshll.u32 s26, $0x1;
	_ =	strace $0x80000046;
	[dreg:$0x1] =	wrdreg $0xFFFFFFFF  }
0xa8: {  	s28 =	simm.s32 $_size_execute0_lowered;
	s4 =	sadd.s32 s4, s6;
	[dreg:$0x0] =	wrdreg $0x0  }
0xa9: {  	s6 =	sshll.u32 s28, $0x1;
	[dreg:$0x2] =	wrdreg s4  }
0xaa: {  	[dreg:$0x3] =	wrdreg s6  }
0xab: {  	[dreg:$0x4] =	wrdreg $0xC0  }
0xac: {  	_ =	task [dreg:s8], $0x5FFFF  }
0xad: {  	[dreg:$0x1] =	wrdreg $0xFFFFFFFF  }
0xae: {  	[dreg:$0x0] =	wrdreg $0x60  }
0xaf: {  	[dreg:$0x2] =	wrdreg s24  }
0xb0: {  	[dreg:$0x3] =	wrdreg s2  }
0xb1: {  	[dreg:$0x4] =	wrdreg s18  }
0xb2: {  	[dreg:$0x5] =	wrdreg $0x9  }
0xb3: {  	_ =	task.clear_ibuf [dreg:s8], $0x6FFFF;
	_ =	strace $0x90000046  }
0xb4: {  	s29 =	simm.s32 $0x9;
	_ =	strace $0x80000048  }
0xb5: {  	_ =	swait.ge [sflag:s29], $0x1  }
0xb6: {  	[sflag:s29] =	ssyncadd.s32 $0xFFFFFFFF  }
0xb7: {  	_ =	strace $0x90000048  }
0xb8: {  	_ =	sfence  }
0xb9: {  	s30 =	sld [smem:$0x0];
	_ =	sdelay $0x2  }
0xba: {  	s31 =	sshll.u32 s1, $0xD;
	s1 =	sshrl.u32 s1, $0x2  }
0xbb: {  	s3 =	sand.u32 $0x4000, s31;
	s1 =	sadd.s32 s1, s30  }
0xbc: {  	s0 =	sor.u32 s3, s0;
	s1 =	sshll.u32 s1, $0x11  }
0xbd: {  	s0 =	sor.u32 s1, s0  }
0xbe: {  	s0 =	sadd.s32 $0x8F2B, s0  }
0xbf: {  	[sflag:s0] =	ssyncadd.remote.s32 $0x1  }
0xc0: {  	_ =	sfence.sel $0xFFFF  }
0xc1: {  	[dreg:$0x0] =	wrdreg $0xFFFFFFFF;
	(pc) =	sbr.abs _section_cstart, $3  }
0xc2: {  	[dreg:$0x1] =	wrdreg $0xFFFFFFFF  }
0xc3: {  	_ =	task.clear_ibuf [dreg:s8], $0x2FFFF;
	_ =	strace $0x9FFFFFFF  }
0xc4: {  	(tm) =	ssettm $0x7FFFFFFF  }
0xc5: {  	_ =	shalt  }
tec
execute0_lowered:
.L_overlay_start_1:
0x0: {  	(tag) =	ssettag $0x1  }
0x1: {  	s1 =	stileid.u32  }
0x2: {  	p0 =	sgt.u32 s1, $0x9  }
.Ltmp0:
0x3: {  	s12 =	rddreg [dreg:$0x0];
	(pc) =	sbr.rel @p0 .LBB2_4-.Ltmp0, $4  }
0x4: {  	s3 =	rddreg [dreg:$0x1]  }
0x5: {  	s5 =	rddreg [dreg:$0x2];
	s2 =	simm.s32 $0x0  }
0x6: {  	[smem:$0x7FF] =	sst s2  }
0x7: {  	s0 =	rddreg [dreg:$0x3];
	_ =	strace $0x80000047  }
0x8: {  	s4 =	srdreg.scid  }
0x9: {  	s29 =	sshll.u32 s1, $0x1;
	s8 =	sand.u32 $0x1, s4  }
0xa: {  	s13 =	sor.u32 s8, s29  }
0xb: {  	s6 =	sshll.u32 s13, $0x1  }
0xc: {  	s4 =	sadd.s32 s3, s6;
	s3 =	simm.s32 $0x2  }
0xd: {  	[tilespmem:s2], [sflag:$0x2] =	stream.linear.gather [hbm4b:s4+s2], $0x10, $0x38;
	[tilespmem:$0x980] =	vst v63  }
0xe: {  	_ =	swait.ge [sflag:s3], $0x10  }
0xf: {  	[sflag:s3] =	ssyncset.done $0x0  }
0x10: {  	s5 =	sadd.s32 s5, s6;
	s6 =	simm.s32 $0x80;
	[sflag:s3] =	ssyncadd.s32 $0xFFFFFFF0  }
0x11: {  	[tilespmem:s6], [sflag:$0x2] =	stream.linear.gather [hbm4b:s5+s2], $0x10, $0x38;
	[tilespmem:$0x980] =	vst v63  }
0x12: {  	_ =	swait.ge [sflag:s3], $0x10  }
0x13: {  	[sflag:s3] =	ssyncset.done $0x0  }
0x14: {  	[sflag:s3] =	ssyncadd.s32 $0xFFFFFFF0  }
0x15: {  	v0 =	vld [tilespmem:$0x80]  }
0x16: {  	v1 =	vld [tilespmem:$0x0];
	_ =	sdelay $0x2  }
0x17: {  	s7 =	sadd.s32 $0x800, s12;
	s14 =	ssub.s32 $0x2, s8  }
0x18: {  	s9 =	simm.s32 $0x100;
	s10 =	simm.s32 $0x180;
	s15 =	sshrl.u32 s14, $0x1;
	v0 =	vshll.u32 v0, $0x7  }
0x19: {  	s11 =	simm.s32 $0x1;
	s13 =	sshll.u32 s13, $0x8;
	s31 =	ssub.s32 s14, s15;
	v0 =	vadd.s32 v1, v0  }
0x1a: {  	s8 =	simm.s32 $0x10;
	s30 =	sadd.s32 s13, s12;
	s13 =	smax.u32 s31, $0x1;
	[tilespmem:$0x100] =	vst v0  }
0x1b: {  	[tilespmem:s10], [sflag:$0x1] =	stream.indirect.gather [hbm4b:s7+s8], $0x80, s9, s8, $0xb8;
	[tilespmem:$0x980] =	vst v63  }
0x1c: {  	p0 =	sne.s32 s13, $0x1;
	_ =	swait.ge [sflag:s11], $0x800  }
.Ltmp1:
0x1d: {  	[sflag:s11] =	ssyncset.done $0x0;
	(pc) =	sbr.rel @!p0 .LBB2_3-.Ltmp1, $4  }
0x1e: {  	s12 =	sadd.s32 $0x28800, s30;
	[sflag:s11] =	ssyncadd.s32 $0xFFFFF800  }
0x1f: {  	[hbm4b:s12+s2] =	stream.linear.scatter [tilespmem:s10], [sflag:$0x2], $0x800, $0x38;
	[tilespmem:$0x980] =	vst v63  }
0x20: {  	_ =	swait.ge [sflag:s3], $0x800  }
0x21: {  	s13 =	sadd.s32 $0xFFFFFFFF, s13;
	[sflag:s3] =	ssyncset.done $0x0  }
.LBB2_2:
0x22: {  	p0 =	sne.s32 s13, $0x1;
	s13 =	sadd.s32 $0xFFFFFFFF, s13;
	[sflag:s3] =	ssyncadd.s32 $0xFFFFF800  }
0x23: {  	[tilespmem:s2], [sflag:$0x2] =	stream.linear.gather [hbm4b:s4+s2], $0x10, $0x38;
	[tilespmem:$0x980] =	vst v63  }
0x24: {  	_ =	swait.ge [sflag:s3], $0x10  }
0x25: {  	[sflag:s3] =	ssyncset.done $0x0  }
0x26: {  	[sflag:s3] =	ssyncadd.s32 $0xFFFFFFF0  }
0x27: {  	[tilespmem:s6], [sflag:$0x2] =	stream.linear.gather [hbm4b:s5+s2], $0x10, $0x38;
	[tilespmem:$0x980] =	vst v63  }
0x28: {  	_ =	swait.ge [sflag:s3], $0x10  }
0x29: {  	[sflag:s3] =	ssyncset.done $0x0  }
0x2a: {  	[sflag:s3] =	ssyncadd.s32 $0xFFFFFFF0  }
0x2b: {  	v0 =	vld [tilespmem:$0x80]  }
0x2c: {  	v1 =	vld [tilespmem:$0x0];
	_ =	sdelay $0x3  }
0x2d: {  	v0 =	vshll.u32 v0, $0x7  }
0x2e: {  	v0 =	vadd.s32 v1, v0  }
0x2f: {  	[tilespmem:$0x100] =	vst v0  }
0x30: {  	[tilespmem:s10], [sflag:$0x1] =	stream.indirect.gather [hbm4b:s7+s8], $0x80, s9, s8, $0xb8;
	[tilespmem:$0x980] =	vst v63  }
0x31: {  	_ =	swait.ge [sflag:s11], $0x800  }
.Ltmp2:
0x32: {  	[sflag:s11] =	ssyncset.done $0x0;
	(pc) =	sbr.rel @p0 .LBB2_2-.Ltmp2, $4  }
0x33: {  	[sflag:s11] =	ssyncadd.s32 $0xFFFFF800  }
0x34: {  	[hbm4b:s12+s2] =	stream.linear.scatter [tilespmem:s10], [sflag:$0x2], $0x800, $0x38;
	[tilespmem:$0x980] =	vst v63  }
0x35: {  	_ =	swait.ge [sflag:s3], $0x800  }
0x36: {  	[sflag:s3] =	ssyncset.done $0x0  }
.LBB2_3:
0x37: {  	[sflag:s3] =	ssyncadd.s32 $0xFFFFF800  }
.LBB2_4:
0x38: {  	_ =	sfence.sel $0x180000  }
0x39: {  	[bflag:$0x0] =	sbarrier.arrive $0xFFFF  }
0x3a: {  	p0 =	sne.s32 s1, $0x0;
	_ =	strace $0x90000047  }
0x3b: {  	s0 =	sadd.s32 @!p0 $0x100000, s0;
	[bflag:$0x2] =	sbarrier.arrive $0xFFFF  }
0x3c: {  	[sflag:s0] =	ssyncadd.tile.s32 @!p0 $0x1;
	_ =	shalt  }
.Lfunc_end2:
_tile_overlayer_lowered:
.L_overlay_start_2:
0x3d: {  	(tag) =	ssettag $0x2  }
0x3e: {  	s0 =	rddreg [dreg:$0x0];
	s2 =	stileid.u32  }
0x3f: {  	s1 =	rddreg [dreg:$0x1];
	p0 =	sne.s32 s2, $0x0  }
0x40: {  	s3 =	rddreg [dreg:$0x2];
	[bflag:$0x3] =	sbarrier.arrive $0xFFFF;
	s2 =	simm.s32 @!p0 $0x1C02  }
0x41: {  	[timem:s3], [sflag:s2] =	dma.local @!p0 [hbm:s0], s1  }
0x42: {  	s0 =	simm.s32 @!p0 $0x2  }
0x43: {  	_ =	swait.ge @!p0 [sflag:s0], s1  }
0x44: {  	s1 =	ssub.s32 @!p0 $0x0, s1;
	[sflag:s0] =	ssyncset.done @!p0 $0x0  }
0x45: {  	[sflag:s0] =	ssyncadd.s32 @!p0 s1  }
0x46: {  	[bflag:$0x3] =	sbarrier.arrive $0xFFFF  }
0x47: {  	_ =	shalt  }

</sc_bundles>
